<compile_context>
chip_gen: v7x
topology: tpu7x:2x2x1
jax: 0.10.2.dev20260603
libtpu: 0.0.44.dev20260713+nightly
codegen_flags: <defaults>
</compile_context>

<pallas_src>
import functools

import jax
import jax.numpy as jnp
from jax.experimental import pallas as pl
from jax.experimental.pallas import tpu as pltpu
from jax.experimental.pallas import tpu_sc as plsc

N_EMB = 1024
EMB_DIM = 64
B = 16
HW = 1024
N_TOK = B * HW
COMMITMENT_COST = 0.25


def _vq_block(z_ref, emb_ref, dist_ref, idx_ref, zq_ref, loss_ref,
              loss_acc):
    b = pl.program_id(0)

    x_slab = z_ref[0]
    emb = emb_ref[...]

    x2 = jnp.sum(x_slab * x_slab, axis=0, keepdims=True).T
    e2 = jnp.sum(emb * emb, axis=1, keepdims=True).T
    xe = jax.lax.dot_general(
        x_slab, emb, (((0,), (1,)), ((), ())),
        preferred_element_type=jnp.float32)
    dist = (x2 + e2) - 2.0 * xe
    dist_ref[...] = dist

    min_d = jnp.min(dist, axis=1, keepdims=True)
    iota = jax.lax.broadcasted_iota(jnp.int32, (HW, N_EMB), 1)
    idx = jnp.min(jnp.where(dist == min_d, iota, N_EMB), axis=1)
    idx = idx.astype(jnp.int32)
    idx_ref[0, 0, :] = idx

    iota0 = jax.lax.broadcasted_iota(jnp.int32, (N_EMB, HW), 0)
    onehot_t = jnp.where(iota0 == idx[None, :], 1.0, 0.0
                         ).astype(jnp.float32).astype(jnp.bfloat16)

    e_hi = emb.astype(jnp.bfloat16)
    r1 = emb - e_hi.astype(jnp.float32)
    e_mid = r1.astype(jnp.bfloat16)

    def sel(e_part):
        return jax.lax.dot_general(
            e_part, onehot_t, (((0,), (0,)), ((), ())),
            preferred_element_type=jnp.float32)

    zq_t = sel(e_hi) + sel(e_mid)

    zq_ref[0] = x_slab + (zq_t - x_slab)

    diff = zq_t - x_slab
    part = jnp.sum(diff * diff, axis=0, keepdims=True)

    @pl.when(b == 0)
    def _init():
        loss_acc[...] = part

    @pl.when(b > 0)
    def _acc():
        loss_acc[...] += part

    @pl.when(b == B - 1)
    def _finalize():
        m = jnp.sum(loss_acc[...]) / jnp.float32(N_TOK * EMB_DIM)
        loss_ref[0, 0] = m + COMMITMENT_COST * m



NW = 32
TOK_PER_W = N_TOK // NW


def _sc_hist_body(idx_hbm, out_hbm, idx_v, bins_v):
    c = jax.lax.axis_index("c")
    s = jax.lax.axis_index("s")
    wid = s * 2 + c
    base = wid * TOK_PER_W
    pltpu.sync_copy(idx_hbm.at[pl.ds(base, TOK_PER_W)], idx_v)

    def zero_body(i, carry):
        bins_v[pl.ds(i * 16, 16)] = jnp.zeros((16,), jnp.float32)
        return carry

    jax.lax.fori_loop(0, N_EMB // 16, zero_body, 0)
    ones = jnp.ones((16,), jnp.float32)

    def hist_body(j, carry):
        v = idx_v[pl.ds(j * 16, 16)]
        plsc.addupdate_scatter(bins_v, [v], ones)
        return carry

    jax.lax.fori_loop(0, TOK_PER_W // 16, hist_body, 0)
    pltpu.sync_copy(bins_v, out_hbm.at[wid])


_sc_hist = functools.partial(
    pl.kernel,
    out_type=jax.ShapeDtypeStruct((NW, N_EMB), jnp.float32),
    mesh=plsc.VectorSubcoreMesh(core_axis_name="c", subcore_axis_name="s"),
    scratch_types=[
        pltpu.VMEM((TOK_PER_W,), jnp.int32),
        pltpu.VMEM((N_EMB,), jnp.float32),
    ],
    compiler_params=pltpu.CompilerParams(needs_layout_passes=False),
)(_sc_hist_body)


def _perp_body(cnt_ref, perp_ref):
    counts = jnp.sum(cnt_ref[...], axis=0, keepdims=True)
    avg = counts / jnp.float32(N_TOK)
    ent = jnp.sum(avg * jnp.log(avg + 1e-10))
    perp_ref[0, 0] = jnp.exp(-ent)


def kernel(z_e, embedding):
    z3 = z_e.reshape(B, EMB_DIM, HW)

    dist, idx3, zq3, loss = pl.pallas_call(
        _vq_block,
        grid=(B,),
        in_specs=[
            pl.BlockSpec((1, EMB_DIM, HW), lambda b: (b, 0, 0)),
            pl.BlockSpec((N_EMB, EMB_DIM), lambda b: (0, 0)),
        ],
        out_specs=[
            pl.BlockSpec((HW, N_EMB), lambda b: (b, 0)),
            pl.BlockSpec((1, 1, HW), lambda b: (b, 0, 0)),
            pl.BlockSpec((1, EMB_DIM, HW), lambda b: (b, 0, 0)),
            pl.BlockSpec(memory_space=pltpu.SMEM),
        ],
        out_shape=[
            jax.ShapeDtypeStruct((N_TOK, N_EMB), jnp.float32),
            jax.ShapeDtypeStruct((B, 1, HW), jnp.int32),
            jax.ShapeDtypeStruct((B, EMB_DIM, HW), jnp.float32),
            jax.ShapeDtypeStruct((1, 1), jnp.float32),
        ],
        scratch_shapes=[
            pltpu.VMEM((1, HW), jnp.float32),
        ],
        compiler_params=pltpu.CompilerParams(
            dimension_semantics=("arbitrary",)),
    )(z3, embedding)

    encoding_indices = idx3.reshape(N_TOK)
    hist = _sc_hist(encoding_indices)

    perp = pl.pallas_call(
        _perp_body,
        in_specs=[pl.BlockSpec((NW, N_EMB), lambda: (0, 0))],
        out_specs=pl.BlockSpec(memory_space=pltpu.SMEM),
        out_shape=jax.ShapeDtypeStruct((1, 1), jnp.float32),
    )(hist)

    z_q_out = zq3.reshape(z_e.shape)
    return (z_q_out, loss[0, 0], perp[0, 0], encoding_indices, dist)

# --- scband reference (transcript-rebuilt; emitter-appended) ---
"""Pipeline reference for scband-vector-quantizer-83743272337531 (READ-ONLY COPY).

The authoritative reference and input builder live on the scoring server;
editing this copy changes nothing except your own understanding.
"""

import jax, jax.numpy as jnp
import numpy as np

N_EMB = 1024
EMB_DIM = 64
COMMITMENT_COST = 0.25

def setup_inputs(seed: int = 0) -> dict:
    key = jax.random.key(seed)
    k1, k2 = jax.random.split(key)
    z_e = jax.random.normal(k1, (16, 64, 32, 32), dtype=jnp.float32)
    embedding = jax.random.uniform(k2, (N_EMB, EMB_DIM), minval=-1.0 / N_EMB, maxval=1.0 / N_EMB, dtype=jnp.float32)
    return {"z_e": z_e, "embedding": embedding}

def reference(z_e, embedding):
    # z_e: (B, D, H, W) -> permute to (B, H, W, D)
    z_perm = jnp.transpose(z_e, (0, 2, 3, 1))
    flat = z_perm.reshape(-1, EMB_DIM)
    flat_sg = jax.lax.stop_gradient(flat)
    # squared L2 distances (non-cosine branch)
    distances = (jnp.sum(flat_sg ** 2, axis=1, keepdims=True)
                 + jnp.sum(embedding ** 2, axis=1)
                 - 2.0 * flat_sg @ embedding.T)
    encoding_indices = jnp.argmin(distances, axis=1)
    z_q_flat = jnp.take(embedding, encoding_indices, axis=0)
    z_q = z_q_flat.reshape(z_perm.shape)
    commitment_loss = jnp.mean((jax.lax.stop_gradient(z_q) - z_perm) ** 2)
    codebook_loss = jnp.mean((z_q - jax.lax.stop_gradient(z_perm)) ** 2)
    loss = codebook_loss + COMMITMENT_COST * commitment_loss
    # straight-through estimator
    z_q_st = z_perm + jax.lax.stop_gradient(z_q - z_perm)
    z_q_out = jnp.transpose(z_q_st, (0, 3, 1, 2))
    encodings = jax.nn.one_hot(encoding_indices, N_EMB, dtype=jnp.float32)
    avg_probs = jnp.mean(encodings, axis=0)
    perplexity = jnp.exp(-jnp.sum(avg_probs * jnp.log(avg_probs + 1e-10)))
    return (z_q_out, loss, perplexity, encoding_indices, distances)

if __name__ == "__main__":
    import jax
    _d = setup_inputs()
    print(jax.jit(kernel)(*tuple(_d.values())))

</pallas_src>

<mosaic_0001>
#map = affine_map<(d0, d1) -> (0)>
#map1 = affine_map<(d0, d1) -> (0, 0)>
module attributes {stable_mosaic.version = 14 : i64} {
  func.func @_sc_hist_body(%arg0: i32, %arg1: i32, %arg2: memref<16384xi32, #tpu.memory_space<hbm>>, %arg3: memref<32x1024xf32, #tpu.memory_space<hbm>>, %arg4: memref<512xi32, #tpu.memory_space<vmem>>, %arg5: memref<1024xf32, #tpu.memory_space<vmem>>) attributes {dimension_semantics = [#tpu.dimension_semantics<core_parallel>, #tpu.dimension_semantics<subcore_parallel>], iteration_bounds = array<i64: 2, 16>, scalar_prefetch = 0 : i64, scratch_operands = 2 : i64, tpu.core_type = #tpu.core_type<sc_vector_subcore>, window_params = [{transform_indices = #map}, {transform_indices = #map1}]} {
    %mul3A = arith.constant 2 : i32
    %mul3A_0 = arith.muli %arg1, %mul3A : i32
    %add3A = arith.addi %mul3A_0, %arg0 : i32
    %mul3A_1 = arith.constant 512 : i32
    %mul3A_2 = arith.muli %add3A, %mul3A_1 : i32
    "tpu.region"() ({
      %run_scoped3A = tpu.sem_alloc : memref<!tpu.dma_semaphore, #tpu.memory_space<semaphore_mem>>
      %dma_start3A = tpu.memref_slice %arg2[%mul3A_2] : memref<16384xi32, #tpu.memory_space<hbm>> -> memref<512xi32, #tpu.memory_space<hbm>>
      %dma_start3A_15 = tpu.memref_slice %arg2[%mul3A_2] : memref<16384xi32, #tpu.memory_space<hbm>> -> memref<512xi32, #tpu.memory_space<hbm>>
      tpu.enqueue_dma source(%dma_start3A_15 : memref<512xi32, #tpu.memory_space<hbm>>) target(%arg4 : memref<512xi32, #tpu.memory_space<vmem>>) target_semaphore(%run_scoped3A : memref<!tpu.dma_semaphore, #tpu.memory_space<semaphore_mem>>)
      %dma_wait3A = tpu.memref_slice %arg2[%mul3A_2] : memref<16384xi32, #tpu.memory_space<hbm>> -> memref<512xi32, #tpu.memory_space<hbm>>
      %dma_wait3A_16 = tpu.memref_slice %arg2[%mul3A_2] : memref<16384xi32, #tpu.memory_space<hbm>> -> memref<512xi32, #tpu.memory_space<hbm>>
      tpu.wait_dma2 semaphore(%run_scoped3A : memref<!tpu.dma_semaphore, #tpu.memory_space<semaphore_mem>>) src(%dma_wait3A_16 : memref<512xi32, #tpu.memory_space<hbm>>) dst(%arg4 : memref<512xi32, #tpu.memory_space<vmem>>)
      tpu.yield
    }) : () -> ()
    %scan3A = arith.constant 0 : i32
    %scan3A_3 = arith.constant 0 : i32
    %scan3A_4 = arith.constant 64 : i32
    %scan3A_5 = arith.addi %scan3A_3, %scan3A_4 : i32
    %scan3A_6 = arith.constant 1 : i32
    scf.for %scan3A_15 = %scan3A_3 to %scan3A_5 step %scan3A_6  : i32 {
      %broadcast_in_dim3A_16 = arith.constant 0.000000e+00 : f32
      %broadcast_in_dim3A_17 = vector.broadcast %broadcast_in_dim3A_16 : f32 to vector<16xf32>
      %mul3A_18 = arith.constant 16 : i32
      %mul3A_19 = arith.muli %scan3A_15, %mul3A_18 : i32
      %swap3A = arith.index_cast %mul3A_19 : i32 to index
      %swap3A_20 = tpu.vector_load %arg5[%swap3A] {strides = array<i32>} : memref<1024xf32, #tpu.memory_space<vmem>>, vector<16xf32>,
      tpu.vector_store %arg5[%swap3A], %broadcast_in_dim3A_17 {strides = array<i32>} : memref<1024xf32, #tpu.memory_space<vmem>>, vector<16xf32>,
    }
    %scan3A_7 = arith.constant 64 : i32
    %broadcast_in_dim3A = arith.constant 1.000000e+00 : f32
    %broadcast_in_dim3A_8 = vector.broadcast %broadcast_in_dim3A : f32 to vector<16xf32>
    %scan3A_9 = arith.constant 0 : i32
    %scan3A_10 = arith.constant 0 : i32
    %scan3A_11 = arith.constant 32 : i32
    %scan3A_12 = arith.addi %scan3A_10, %scan3A_11 : i32
    %scan3A_13 = arith.constant 1 : i32
    scf.for %scan3A_15 = %scan3A_10 to %scan3A_12 step %scan3A_13  : i32 {
      %mul3A_16 = arith.constant 16 : i32
      %mul3A_17 = arith.muli %scan3A_15, %mul3A_16 : i32
      %get3A = arith.index_cast %mul3A_17 : i32 to index
      %get3A_18 = tpu.vector_load %arg4[%get3A] {strides = array<i32>} : memref<512xi32, #tpu.memory_space<vmem>>, vector<16xi32>,
      tpu.vector_store_idx %arg5[%get3A_18], %broadcast_in_dim3A_8 {add = true} : memref<1024xf32, #tpu.memory_space<vmem>>[vector<16xi32>], vector<16xf32>,
    }
    %scan3A_14 = arith.constant 32 : i32
    "tpu.region"() ({
      %run_scoped3A = tpu.sem_alloc : memref<!tpu.dma_semaphore, #tpu.memory_space<semaphore_mem>>
      %dma_start3A = arith.constant 0 : i32
      %dma_start3A_15 = tpu.memref_slice %arg3[%add3A, %dma_start3A] : memref<32x1024xf32, #tpu.memory_space<hbm>> -> memref<1x1024xf32, #tpu.memory_space<hbm>>
      %dma_start3A_16 = tpu.memref_squeeze %dma_start3A_15 : memref<1x1024xf32, #tpu.memory_space<hbm>> -> memref<1024xf32, #tpu.memory_space<hbm>>
      %dma_start3A_17 = arith.constant 0 : i32
      %dma_start3A_18 = tpu.memref_slice %arg3[%add3A, %dma_start3A_17] : memref<32x1024xf32, #tpu.memory_space<hbm>> -> memref<1x1024xf32, #tpu.memory_space<hbm>>
      %dma_start3A_19 = tpu.memref_squeeze %dma_start3A_18 : memref<1x1024xf32, #tpu.memory_space<hbm>> -> memref<1024xf32, #tpu.memory_space<hbm>>
      tpu.enqueue_dma source(%arg5 : memref<1024xf32, #tpu.memory_space<vmem>>) target(%dma_start3A_19 : memref<1024xf32, #tpu.memory_space<hbm>>) target_semaphore(%run_scoped3A : memref<!tpu.dma_semaphore, #tpu.memory_space<semaphore_mem>>)
      %dma_wait3A = arith.constant 0 : i32
      %dma_wait3A_20 = tpu.memref_slice %arg3[%add3A, %dma_wait3A] : memref<32x1024xf32, #tpu.memory_space<hbm>> -> memref<1x1024xf32, #tpu.memory_space<hbm>>
      %dma_wait3A_21 = tpu.memref_squeeze %dma_wait3A_20 : memref<1x1024xf32, #tpu.memory_space<hbm>> -> memref<1024xf32, #tpu.memory_space<hbm>>
      %dma_wait3A_22 = arith.constant 0 : i32
      %dma_wait3A_23 = tpu.memref_slice %arg3[%add3A, %dma_wait3A_22] : memref<32x1024xf32, #tpu.memory_space<hbm>> -> memref<1x1024xf32, #tpu.memory_space<hbm>>
      %dma_wait3A_24 = tpu.memref_squeeze %dma_wait3A_23 : memref<1x1024xf32, #tpu.memory_space<hbm>> -> memref<1024xf32, #tpu.memory_space<hbm>>
      tpu.wait_dma2 semaphore(%run_scoped3A : memref<!tpu.dma_semaphore, #tpu.memory_space<semaphore_mem>>) src(%arg5 : memref<1024xf32, #tpu.memory_space<vmem>>) dst(%dma_wait3A_24 : memref<1024xf32, #tpu.memory_space<hbm>>)
      tpu.yield
    }) : () -> ()
    return
  }
}

module attributes {stable_mosaic.version = 14 : i64} {
  func.func @_vq_block(%arg0: i32, %arg1: memref<1x64x1024xf32, #tpu.memory_space<vmem>>, %arg2: memref<1024x64xf32, #tpu.memory_space<vmem>>, %arg3: memref<1024x1024xf32, #tpu.memory_space<vmem>>, %arg4: memref<1x1x1024xi32, #tpu.memory_space<vmem>>, %arg5: memref<1x64x1024xf32, #tpu.memory_space<vmem>>, %arg6: memref<1x1xf32, #tpu.memory_space<smem>>, %arg7: memref<1x1024xf32, #tpu.memory_space<vmem>>) attributes {dimension_semantics = [#tpu.dimension_semantics<arbitrary>], iteration_bounds = array<i64: 16>, scalar_prefetch = 0 : i64, scratch_operands = 1 : i64, tpu.core_type = #tpu.core_type<tc>, window_params = [{transform_indices = @transform_0, window_bounds = array<i64: 1, 64, 1024>}, {pipeline_mode = #tpu.pipeline_mode<synchronous>, transform_indices = @transform_1, window_bounds = array<i64: 1024, 64>}, {transform_indices = @transform_2, window_bounds = array<i64: 1024, 1024>}, {transform_indices = @transform_3, window_bounds = array<i64: 1, 1, 1024>}, {transform_indices = @transform_4, window_bounds = array<i64: 1, 64, 1024>}, {transform_indices = @transform_5, window_bounds = array<i64: 1, 1>}]} {
    %get3A = arith.constant 0 : index
    %get3A_0 = arith.constant 0 : index
    %get3A_1 = arith.constant 0 : index
    %get3A_2 = vector.load %arg1[%get3A, %get3A_0, %get3A_1] : memref<1x64x1024xf32, #tpu.memory_space<vmem>>, vector<1x64x1024xf32>
    %get3A_3 = vector.shape_cast %get3A_2 : vector<1x64x1024xf32> to vector<64x1024xf32>
    %get3A_4 = arith.constant 0 : index
    %get3A_5 = arith.constant 0 : index
    %get3A_6 = vector.load %arg2[%get3A_4, %get3A_5] : memref<1024x64xf32, #tpu.memory_space<vmem>>, vector<1024x64xf32>
    %mul3A = arith.mulf %get3A_3, %get3A_3 : vector<64x1024xf32>
    %reduce_sum3A = arith.constant dense<0.000000e+00> : vector<1024xf32>
    %reduce_sum3A_7 = vector.multi_reduction <add>, %mul3A, %reduce_sum3A [0] : vector<64x1024xf32> to vector<1024xf32>
    %broadcast_in_dim3A = vector.shape_cast %reduce_sum3A_7 : vector<1024xf32> to vector<1x1024xf32>
    %transpose3A = tpu.transpose %broadcast_in_dim3A, [1, 0] : vector<1x1024xf32> -> vector<1024x1xf32>
    %mul3A_8 = arith.mulf %get3A_6, %get3A_6 : vector<1024x64xf32>
    %reduce_sum3A_9 = arith.constant dense<0.000000e+00> : vector<1024xf32>
    %reduce_sum3A_10 = vector.multi_reduction <add>, %mul3A_8, %reduce_sum3A_9 [1] : vector<1024x64xf32> to vector<1024xf32>
    %broadcast_in_dim3A_11 = vector.shape_cast %reduce_sum3A_10 : vector<1024xf32> to vector<1024x1xf32>
    %transpose3A_12 = tpu.transpose %broadcast_in_dim3A_11, [1, 0] : vector<1024x1xf32> -> vector<1x1024xf32>
    %dot_general3A = arith.constant dense<0.000000e+00> : vector<1024x1024xf32>
    %dot_general3A_13 = tpu.matmul %get3A_3, %get3A_6, %dot_general3A {dimension_numbers = #tpu.dot_dimension_numbers<[0], [1], [1], [0], [0, 1, 1, 0], [], []>, transpose_lhs_hint = false} : vector<64x1024xf32>, vector<1024x64xf32>, vector<1024x1024xf32> -> vector<1024x1024xf32>
    %add3A = vector.broadcast %transpose3A : vector<1024x1xf32> to vector<1024x1024xf32>
    %add3A_14 = vector.broadcast %transpose3A_12 : vector<1x1024xf32> to vector<1024x1024xf32>
    %add3A_15 = arith.addf %add3A, %add3A_14 : vector<1024x1024xf32>
    %mul3A_16 = arith.constant 2.000000e+00 : f32
    %mul3A_17 = vector.broadcast %mul3A_16 : f32 to vector<1024x1024xf32>
    %mul3A_18 = arith.mulf %mul3A_17, %dot_general3A_13 : vector<1024x1024xf32>
    %sub3A = arith.subf %add3A_15, %mul3A_18 : vector<1024x1024xf32>
    %swap3A = arith.constant 0 : index
    %swap3A_19 = arith.constant 0 : index
    %swap3A_20 = vector.load %arg3[%swap3A, %swap3A_19] : memref<1024x1024xf32, #tpu.memory_space<vmem>>, vector<1024x1024xf32>
    tpu.vector_store %arg3[%swap3A, %swap3A_19], %sub3A {strides = array<i32>} : memref<1024x1024xf32, #tpu.memory_space<vmem>>, vector<1024x1024xf32>,
    %reduce_min3A = arith.constant dense<0x7F800000> : vector<1024xf32>
    %reduce_min3A_21 = vector.multi_reduction <minimumf>, %sub3A, %reduce_min3A [1] : vector<1024x1024xf32> to vector<1024xf32>
    %broadcast_in_dim3A_22 = vector.shape_cast %reduce_min3A_21 : vector<1024xf32> to vector<1024x1xf32>
    %iota3A = tpu.iota {dimensions = array<i32: 1>} : vector<1024x1024xi32>
    %eq3A = vector.broadcast %broadcast_in_dim3A_22 : vector<1024x1xf32> to vector<1024x1024xf32>
    %eq3A_23 = arith.cmpf oeq, %sub3A, %eq3A : vector<1024x1024xf32>
    %jit3A = arith.constant 1024 : i32
    %broadcast_in_dim3A_24 = vector.broadcast %jit3A : i32 to vector<1024x1024xi32>
    %select_n3A = arith.select %eq3A_23, %iota3A, %broadcast_in_dim3A_24 : vector<1024x1024xi1>, vector<1024x1024xi32>
    %reduce_min3A_25 = arith.constant dense<2147483647> : vector<1024xi32>
    %reduce_min3A_26 = vector.multi_reduction <minsi>, %select_n3A, %reduce_min3A_25 [1] : vector<1024x1024xi32> to vector<1024xi32>
    %swap3A_27 = arith.constant 0 : index
    %swap3A_28 = arith.constant 0 : index
    %swap3A_29 = arith.constant 0 : index
    %swap3A_30 = vector.load %arg4[%swap3A_27, %swap3A_28, %swap3A_29] : memref<1x1x1024xi32, #tpu.memory_space<vmem>>, vector<1x1x1024xi32>
    %swap3A_31 = vector.shape_cast %swap3A_30 : vector<1x1x1024xi32> to vector<1024xi32>
    %swap3A_32 = vector.shape_cast %reduce_min3A_26 : vector<1024xi32> to vector<1x1x1024xi32>
    tpu.vector_store %arg4[%swap3A_27, %swap3A_28, %swap3A_29], %swap3A_32 {strides = array<i32>} : memref<1x1x1024xi32, #tpu.memory_space<vmem>>, vector<1x1x1024xi32>,
    %iota3A_33 = tpu.iota {dimensions = array<i32: 0>} : vector<1024x1024xi32>
    %broadcast_in_dim3A_34 = vector.shape_cast %reduce_min3A_26 : vector<1024xi32> to vector<1x1024xi32>
    %eq3A_35 = vector.broadcast %broadcast_in_dim3A_34 : vector<1x1024xi32> to vector<1024x1024xi32>
    %eq3A_36 = arith.cmpi eq, %iota3A_33, %eq3A_35 : vector<1024x1024xi32>
    %jit3A_37 = arith.constant 1.000000e+00 : f32
    %jit3A_38 = arith.constant 0.000000e+00 : f32
    %broadcast_in_dim3A_39 = vector.broadcast %jit3A_37 : f32 to vector<1024x1024xf32>
    %broadcast_in_dim3A_40 = vector.broadcast %jit3A_38 : f32 to vector<1024x1024xf32>
    %select_n3A_41 = arith.select %eq3A_36, %broadcast_in_dim3A_39, %broadcast_in_dim3A_40 : vector<1024x1024xi1>, vector<1024x1024xf32>
    %convert_element_type3A = arith.truncf %select_n3A_41 : vector<1024x1024xf32> to vector<1024x1024xbf16>
    %convert_element_type3A_42 = arith.truncf %get3A_6 : vector<1024x64xf32> to vector<1024x64xbf16>
    %convert_element_type3A_43 = arith.extf %convert_element_type3A_42 : vector<1024x64xbf16> to vector<1024x64xf32>
    %sub3A_44 = arith.subf %get3A_6, %convert_element_type3A_43 : vector<1024x64xf32>
    %convert_element_type3A_45 = arith.truncf %sub3A_44 : vector<1024x64xf32> to vector<1024x64xbf16>
    %dot_general3A_46 = arith.constant dense<0.000000e+00> : vector<64x1024xf32>
    %dot_general3A_47 = tpu.matmul %convert_element_type3A_42, %convert_element_type3A, %dot_general3A_46 {dimension_numbers = #tpu.dot_dimension_numbers<[0], [0], [1], [1], [0, 1, 1, 1], [], []>, transpose_lhs_hint = false} : vector<1024x64xbf16>, vector<1024x1024xbf16>, vector<64x1024xf32> -> vector<64x1024xf32>
    %dot_general3A_48 = arith.constant dense<0.000000e+00> : vector<64x1024xf32>
    %dot_general3A_49 = tpu.matmul %convert_element_type3A_45, %convert_element_type3A, %dot_general3A_48 {dimension_numbers = #tpu.dot_dimension_numbers<[0], [0], [1], [1], [0, 1, 1, 1], [], []>, transpose_lhs_hint = false} : vector<1024x64xbf16>, vector<1024x1024xbf16>, vector<64x1024xf32> -> vector<64x1024xf32>
    %add3A_50 = arith.addf %dot_general3A_47, %dot_general3A_49 : vector<64x1024xf32>
    %sub3A_51 = arith.subf %add3A_50, %get3A_3 : vector<64x1024xf32>
    %add3A_52 = arith.addf %get3A_3, %sub3A_51 : vector<64x1024xf32>
    %swap3A_53 = arith.constant 0 : index
    %swap3A_54 = arith.constant 0 : index
    %swap3A_55 = arith.constant 0 : index
    %swap3A_56 = vector.load %arg5[%swap3A_53, %swap3A_54, %swap3A_55] : memref<1x64x1024xf32, #tpu.memory_space<vmem>>, vector<1x64x1024xf32>
    %swap3A_57 = vector.shape_cast %swap3A_56 : vector<1x64x1024xf32> to vector<64x1024xf32>
    %swap3A_58 = vector.shape_cast %add3A_52 : vector<64x1024xf32> to vector<1x64x1024xf32>
    tpu.vector_store %arg5[%swap3A_53, %swap3A_54, %swap3A_55], %swap3A_58 {strides = array<i32>} : memref<1x64x1024xf32, #tpu.memory_space<vmem>>, vector<1x64x1024xf32>,
    %sub3A_59 = arith.subf %add3A_50, %get3A_3 : vector<64x1024xf32>
    %mul3A_60 = arith.mulf %sub3A_59, %sub3A_59 : vector<64x1024xf32>
    %reduce_sum3A_61 = arith.constant dense<0.000000e+00> : vector<1024xf32>
    %reduce_sum3A_62 = vector.multi_reduction <add>, %mul3A_60, %reduce_sum3A_61 [0] : vector<64x1024xf32> to vector<1024xf32>
    %broadcast_in_dim3A_63 = vector.shape_cast %reduce_sum3A_62 : vector<1024xf32> to vector<1x1024xf32>
    %eq3A_64 = arith.constant 0 : i32
    %eq3A_65 = arith.cmpi eq, %arg0, %eq3A_64 : i32
    %convert_element_type3A_66 = arith.extui %eq3A_65 : i1 to i32
    %cond3A = arith.constant 0 : i32
    %cond3A_67 = arith.cmpi ne, %convert_element_type3A_66, %cond3A : i32
    scf.if %cond3A_67 {
      %swap3A_77 = arith.constant 0 : index
      %swap3A_78 = arith.constant 0 : index
      %swap3A_79 = vector.load %arg7[%swap3A_77, %swap3A_78] : memref<1x1024xf32, #tpu.memory_space<vmem>>, vector<1x1024xf32>
      tpu.vector_store %arg7[%swap3A_77, %swap3A_78], %broadcast_in_dim3A_63 {strides = array<i32>} : memref<1x1024xf32, #tpu.memory_space<vmem>>, vector<1x1024xf32>,
    } else {
    }
    %gt3A = arith.constant 0 : i32
    %gt3A_68 = arith.cmpi sgt, %arg0, %gt3A : i32
    %convert_element_type3A_69 = arith.extui %gt3A_68 : i1 to i32
    %cond3A_70 = arith.constant 0 : i32
    %cond3A_71 = arith.cmpi ne, %convert_element_type3A_69, %cond3A_70 : i32
    scf.if %cond3A_71 {
      %get3A_77 = arith.constant 0 : index
      %get3A_78 = arith.constant 0 : index
      %get3A_79 = vector.load %arg7[%get3A_77, %get3A_78] : memref<1x1024xf32, #tpu.memory_space<vmem>>, vector<1x1024xf32>
      %add3A_80 = arith.addf %get3A_79, %broadcast_in_dim3A_63 : vector<1x1024xf32>
      %swap3A_81 = arith.constant 0 : index
      %swap3A_82 = arith.constant 0 : index
      %swap3A_83 = vector.load %arg7[%swap3A_81, %swap3A_82] : memref<1x1024xf32, #tpu.memory_space<vmem>>, vector<1x1024xf32>
      tpu.vector_store %arg7[%swap3A_81, %swap3A_82], %add3A_80 {strides = array<i32>} : memref<1x1024xf32, #tpu.memory_space<vmem>>, vector<1x1024xf32>,
    } else {
    }
    %eq3A_72 = arith.constant 15 : i32
    %eq3A_73 = arith.cmpi eq, %arg0, %eq3A_72 : i32
    %convert_element_type3A_74 = arith.extui %eq3A_73 : i1 to i32
    %cond3A_75 = arith.constant 0 : i32
    %cond3A_76 = arith.cmpi ne, %convert_element_type3A_74, %cond3A_75 : i32
    scf.if %cond3A_76 {
      %get3A_77 = arith.constant 0 : index
      %get3A_78 = arith.constant 0 : index
      %get3A_79 = vector.load %arg7[%get3A_77, %get3A_78] : memref<1x1024xf32, #tpu.memory_space<vmem>>, vector<1x1024xf32>
      %reduce_sum3A_80 = vector.shape_cast %get3A_79 : vector<1x1024xf32> to vector<1x1x1024xf32>
      %reduce_sum3A_81 = arith.constant dense<0.000000e+00> : vector<1xf32>
      %reduce_sum3A_82 = vector.multi_reduction <add>, %reduce_sum3A_80, %reduce_sum3A_81 [1, 2] : vector<1x1x1024xf32> to vector<1xf32>
      %reduce_sum3A_83 = vector.shape_cast %reduce_sum3A_82 : vector<1xf32> to vector<1x1x1xf32>
      %reduce_sum3A_84 = vector.extract %reduce_sum3A_83[0, 0, 0] : f32 from vector<1x1x1xf32>
      %div3A = arith.constant 0x49800000 : f32
      %div3A_85 = arith.divf %reduce_sum3A_84, %div3A : f32
      %mul3A_86 = arith.constant 2.500000e-01 : f32
      %mul3A_87 = arith.mulf %mul3A_86, %div3A_85 : f32
      %add3A_88 = arith.addf %div3A_85, %mul3A_87 : f32
      %swap3A_89 = arith.constant 0 : index
      %swap3A_90 = arith.constant 0 : index
      %swap3A_91 = memref.load %arg6[%swap3A_89, %swap3A_90] : memref<1x1xf32, #tpu.memory_space<smem>>
      memref.store %add3A_88, %arg6[%swap3A_89, %swap3A_90] : memref<1x1xf32, #tpu.memory_space<smem>>
    } else {
    }
    return
  }
  func.func @transform_0(%arg0: i32) -> (i32, i32, i32) {
    %c0_i32 = arith.constant 0 : i32
    %c0_i32_0 = arith.constant 0 : i32
    %c0_i32_1 = arith.constant 0 : i32
    return %arg0, %c0_i32, %c0_i32_0 : i32, i32, i32
  }
  func.func @transform_1(%arg0: i32) -> (i32, i32) {
    %c0_i32 = arith.constant 0 : i32
    %c0_i32_0 = arith.constant 0 : i32
    %c0_i32_1 = arith.constant 0 : i32
    return %c0_i32, %c0_i32_0 : i32, i32
  }
  func.func @transform_2(%arg0: i32) -> (i32, i32) {
    %c0_i32 = arith.constant 0 : i32
    %c0_i32_0 = arith.constant 0 : i32
    return %arg0, %c0_i32 : i32, i32
  }
  func.func @transform_3(%arg0: i32) -> (i32, i32, i32) {
    %c0_i32 = arith.constant 0 : i32
    %c0_i32_0 = arith.constant 0 : i32
    %c0_i32_1 = arith.constant 0 : i32
    return %arg0, %c0_i32, %c0_i32_0 : i32, i32, i32
  }
  func.func @transform_4(%arg0: i32) -> (i32, i32, i32) {
    %c0_i32 = arith.constant 0 : i32
    %c0_i32_0 = arith.constant 0 : i32
    %c0_i32_1 = arith.constant 0 : i32
    return %arg0, %c0_i32, %c0_i32_0 : i32, i32, i32
  }
  func.func @transform_5(%arg0: i32) -> (i32, i32) {
    %c0_i32 = arith.constant 0 : i32
    %c0_i32_0 = arith.constant 0 : i32
    %c0_i32_1 = arith.constant 0 : i32
    return %c0_i32, %c0_i32_0 : i32, i32
  }
}

module attributes {stable_mosaic.version = 14 : i64} {
  func.func @_perp_body(%arg0: memref<32x1024xf32, #tpu.memory_space<vmem>>, %arg1: memref<1x1xf32, #tpu.memory_space<smem>>) attributes {dimension_semantics = [], scalar_prefetch = 0 : i64, scratch_operands = 0 : i64, tpu.core_type = #tpu.core_type<tc>} {
    %get3A = arith.constant 0 : index
    %get3A_0 = arith.constant 0 : index
    %get3A_1 = vector.load %arg0[%get3A, %get3A_0] : memref<32x1024xf32, #tpu.memory_space<vmem>>, vector<32x1024xf32>
    %reduce_sum3A = arith.constant dense<0.000000e+00> : vector<1024xf32>
    %reduce_sum3A_2 = vector.multi_reduction <add>, %get3A_1, %reduce_sum3A [0] : vector<32x1024xf32> to vector<1024xf32>
    %broadcast_in_dim3A = vector.shape_cast %reduce_sum3A_2 : vector<1024xf32> to vector<1x1024xf32>
    %div3A = arith.constant 1.638400e+04 : f32
    %div3A_3 = vector.broadcast %div3A : f32 to vector<1x1024xf32>
    %div3A_4 = arith.divf %broadcast_in_dim3A, %div3A_3 : vector<1x1024xf32>
    %add3A = arith.constant 1.000000e-10 : f32
    %add3A_5 = vector.broadcast %add3A : f32 to vector<1x1024xf32>
    %add3A_6 = arith.addf %div3A_4, %add3A_5 : vector<1x1024xf32>
    %log3A = math.log %add3A_6 : vector<1x1024xf32>
    %mul3A = arith.mulf %div3A_4, %log3A : vector<1x1024xf32>
    %reduce_sum3A_7 = vector.shape_cast %mul3A : vector<1x1024xf32> to vector<1x1x1024xf32>
    %reduce_sum3A_8 = arith.constant dense<0.000000e+00> : vector<1xf32>
    %reduce_sum3A_9 = vector.multi_reduction <add>, %reduce_sum3A_7, %reduce_sum3A_8 [1, 2] : vector<1x1x1024xf32> to vector<1xf32>
    %reduce_sum3A_10 = vector.shape_cast %reduce_sum3A_9 : vector<1xf32> to vector<1x1x1xf32>
    %reduce_sum3A_11 = vector.extract %reduce_sum3A_10[0, 0, 0] : f32 from vector<1x1x1xf32>
    %neg3A = arith.constant 0.000000e+00 : f32
    %neg3A_12 = arith.subf %neg3A, %reduce_sum3A_11 : f32
    %exp3A = math.exp %neg3A_12 : f32
    %swap3A = arith.constant 0 : index
    %swap3A_13 = arith.constant 0 : index
    %swap3A_14 = memref.load %arg1[%swap3A, %swap3A_13] : memref<1x1xf32, #tpu.memory_space<smem>>
    memref.store %exp3A, %arg1[%swap3A, %swap3A_13] : memref<1x1xf32, #tpu.memory_space<smem>>
    return
  }
}

</mosaic_0001>

<sc_bundles>
// kernel: kernel.5.cloned.1.call-start
scs
__scs_entry_jumppad:
0x0: {  	(pc) =	sbr.rel $0x88, $3  }
0x1: {  	(tag) =	ssettag $0x0;
	lr =	simm.s32 $0x1  }
0x2: {  	[smem:$0x3F9F] =	sst lr;
	_ =	strace $0xD0000000  }
0x3: {  	_ = 	snop  }
0x4: {  	_ = 	snop  }
0x5: {  	_ = 	snop  }
0x6: {  	_ = 	snop  }
0x7: {  	_ = 	snop  }
__scs_overlays_trampoline_lowered:
0x8: {  	[smem:$0x3FAE] =	sst s0  }
0x9: {  	[smem:$0x3FAF] =	sst s1  }
0xa: {  	[smem:$0x3FB0] =	sst s2  }
0xb: {  	[smem:$0x3FB1] =	sst s3  }
0xc: {  	[smem:$0x3FB2] =	sst s4  }
0xd: {  	[smem:$0x3FB3] =	sst s5  }
0xe: {  	[smem:$0x3FB4] =	sst s6  }
0xf: {  	[smem:$0x3FB5] =	sst s7  }
0x10: {  	[smem:$0x3FB6] =	sst s8  }
0x11: {  	[smem:$0x3FB7] =	sst s9;
	s0 =	simm.s32 @!p0 $0x0  }
0x12: {  	s1 =	sld [smem:$0x3F9D];
	s0 =	simm.s32 @p0 $0x1  }
0x13: {  	[smem:$0x3FB8] =	sst s0;
	s0 =	simm.s32 @!p1 $0x0  }
0x14: {  	s2 =	sld [smem:$0x3F9C];
	s0 =	simm.s32 @p1 $0x1  }
0x15: {  	[smem:$0x3FB9] =	sst s0;
	s0 =	simm.s32 @!p2 $0x0  }
0x16: {  	s3 =	sld [smem:$0x3FDB];
	s0 =	simm.s32 @p2 $0x1  }
0x17: {  	s4 =	simm.s32 $0x1BF5;
	[smem:$0x3FBB] =	sst s0  }
0x18: {  	s0 =	sld [smem:$0x3F9E];
	_ =	swait.ge [sflag:s4], $0x0  }
0x19: {  	s7 =	sld [smem:$0x3F9F]  }
0x1a: {  	s8 =	sadd.s32 $0xFFFFE003, lr  }
0x1b: {  	s9 =	sadd.s32 $0xFFFFFEF7, lr;
	s5 =	simm.s32 $0xFFFFFFFF;
	p2 =	slt.u32 s8, $0xFFFFF086  }
0x1c: {  	p1 =	slt.u32 s9, $0xF7A;
	s5 =	simm.s32 @!p2 $0x0  }
0x1d: {  	s5 =	simm.s32 @p1 $0x1;
	p0 =	seq.s32 s7, s2  }
0x1e: {  	s7 =	smul.u32 @!p0 $0xF7A, s2;
	p2 =	seq.s32 @!p0 s5, $0x0  }
0x1f: {  	s9 =	smul.u32 $0xF7A, s1;
	s8 =	simm.s32 @!p0 $0x1BF5;
	p2 =	por !p2, p0  }
0x20: {  	[sflag:s8] =	ssyncset.s32 @!p0 $0xFFFFF086;
	s6 =	sadd.s32 @!p0 s3, s7;
	s7 =	simm.s32 @!p0 $0x108  }
0x21: {  	s3 =	sadd.s32 s3, s9;
	s6 =	sadd.s32 @!p0 $0x88, s6;
	s7 =	simm.s32 @p2 $0x1082  }
0x22: {  	[simem:s7], [sflag:s8] =	dma.local @!p0 [hbm:s6], $0xF7A  }
0x23: {  	s9 =	sor.u32 $0xD0000000, s2;
	s6 =	simm.s32 $0x108;
	_ =	swait.ge @!p0 [sflag:s8], $0x0  }
0x24: {  	s3 =	sadd.s32 $0x88, s3;
	s6 =	simm.s32 @!p1 $0x1082;
	[sflag:s4] =	ssyncset.s32 $0xFFFFF086  }
0x25: {  	[simem:s6], [sflag:s4] =	dma.local [hbm:s3], $0xF7A  }
0x26: {  	[smem:$0x3F9F] =	sst s1;
	(tag) =	ssettag s2;
	_ =	strace s9  }
0x27: {  	s1 =	sld [smem:$0x3FAF]  }
0x28: {  	s2 =	sld [smem:$0x3FB0]  }
0x29: {  	s4 =	sld [smem:$0x3FB2]  }
0x2a: {  	p0 =	seq.s32 s5, $0x0;
	s5 =	sld [smem:$0x3FB3]  }
0x2b: {  	s6 =	sld [smem:$0x3FB4]  }
0x2c: {  	s7 =	sld [smem:$0x3FB5]  }
0x2d: {  	s3 =	simm.s32 $0x108;
	s8 =	sld [smem:$0x3FB6]  }
0x2e: {  	s3 =	simm.s32 @!p0 $0x1082;
	s9 =	sld [smem:$0x3FB7]  }
0x2f: {  	lr =	sadd.s32 s0, s3;
	s0 =	sld [smem:$0x3FAE]  }
0x30: {  	s3 =	sld [smem:$0x3FB1]  }
0x31: {  	[smem:$0x3FBA] =	sst s10  }
0x32: {  	s10 =	sld [smem:$0x3FB8];
	_ =	sdelay $0x3  }
0x33: {  	p0 =	seq.s32 s10, $0x1;
	s10 =	sld [smem:$0x3FBA];
	_ =	sdelay $0x3  }
0x34: {  	[smem:$0x3FBA] =	sst s10  }
0x35: {  	s10 =	sld [smem:$0x3FB9];
	_ =	sdelay $0x3  }
0x36: {  	p1 =	seq.s32 s10, $0x1;
	s10 =	sld [smem:$0x3FBA];
	_ =	sdelay $0x3  }
0x37: {  	[smem:$0x3FBA] =	sst s10  }
0x38: {  	s10 =	sld [smem:$0x3FBB]  }
0x39: {  	_ = 	snop;
	(pc) =	sbr.ind lr, $3  }
0x3a: {  	_ = 	snop  }
0x3b: {  	_ = 	snop  }
0x3c: {  	p2 =	seq.s32 s10, $0x1;
	s10 =	sld [smem:$0x3FBA]  }
0x3d: {  	_ =	shalt  }
0x3e: {  	_ =	shalt  }
0x3f: {  	_ =	shalt  }
0x40: {  	_ =	shalt  }
0x41: {  	_ =	shalt  }
0x42: {  	_ =	shalt  }
0x43: {  	_ =	shalt  }
0x44: {  	_ =	shalt  }
0x45: {  	_ =	shalt  }
0x46: {  	_ =	shalt  }
0x47: {  	_ =	shalt  }
0x48: {  	_ =	shalt  }
0x49: {  	_ =	shalt  }
0x4a: {  	_ =	shalt  }
0x4b: {  	_ =	shalt  }
0x4c: {  	_ =	shalt  }
0x4d: {  	_ =	shalt  }
0x4e: {  	_ =	shalt  }
0x4f: {  	_ =	shalt  }
0x50: {  	_ =	shalt  }
0x51: {  	_ =	shalt  }
0x52: {  	_ =	shalt  }
0x53: {  	_ =	shalt  }
0x54: {  	_ =	shalt  }
0x55: {  	_ =	shalt  }
0x56: {  	_ =	shalt  }
0x57: {  	_ =	shalt  }
0x58: {  	_ =	shalt  }
0x59: {  	_ =	shalt  }
0x5a: {  	_ =	shalt  }
0x5b: {  	_ =	shalt  }
0x5c: {  	_ =	shalt  }
0x5d: {  	_ =	shalt  }
0x5e: {  	_ =	shalt  }
0x5f: {  	_ =	shalt  }
0x60: {  	_ =	shalt  }
0x61: {  	_ =	shalt  }
0x62: {  	_ =	shalt  }
0x63: {  	_ =	shalt  }
0x64: {  	_ =	shalt  }
0x65: {  	_ =	shalt  }
0x66: {  	_ =	shalt  }
0x67: {  	_ =	shalt  }
0x68: {  	_ =	shalt  }
0x69: {  	_ =	shalt  }
0x6a: {  	_ =	shalt  }
0x6b: {  	_ =	shalt  }
0x6c: {  	_ =	shalt  }
0x6d: {  	_ =	shalt  }
0x6e: {  	_ =	shalt  }
0x6f: {  	_ =	shalt  }
0x70: {  	_ =	shalt  }
0x71: {  	_ =	shalt  }
0x72: {  	_ =	shalt  }
0x73: {  	_ =	shalt  }
0x74: {  	_ =	shalt  }
0x75: {  	_ =	shalt  }
0x76: {  	_ =	shalt  }
0x77: {  	_ =	shalt  }
0x78: {  	_ =	shalt  }
0x79: {  	_ =	shalt  }
0x7a: {  	_ =	shalt  }
0x7b: {  	_ =	shalt  }
0x7c: {  	_ =	shalt  }
0x7d: {  	_ =	shalt  }
0x7e: {  	_ =	shalt  }
0x7f: {  	_ =	shalt  }
0x80: {  	_ =	shalt  }
0x81: {  	_ =	shalt  }
0x82: {  	_ =	shalt  }
0x83: {  	_ =	shalt  }
0x84: {  	_ =	shalt  }
0x85: {  	_ =	shalt  }
0x86: {  	_ =	shalt  }
0x87: {  	_ =	shalt  }
.Lfunc_end0:
.L_simem_size_0:
called_computation_lowered:
.L_overlay_start_0:
0x88: {  	s2 =	sld [smem:$0x3FD9]  }
0x89: {  	s3 =	sld [smem:$0x3FFE];
	_ =	sdelay $0x1  }
0x8a: {  	s1 =	srdreg.scid  }
0x8b: {  	s0 =	sand.u32 $0x1, s1  }
0x8c: {  	s14 =	sshll.u32 s0, $0xA;
	s2 =	sadd.s32 s3, s2  }
0x8d: {  	s2 =	sadd.s32 s2, s14  }
0x8e: {  	[smem:$0x3FC6] =	sst s2  }
0x8f: {  	_ = 	snop  }
0x90: {  	s2 =	sld [smem:$0x3FD0];
	_ =	sdelay $0x2  }
0x91: {  	s15 =	simm.s32 $0xA;
	s4 =	simm.s32 $0x10  }
0x92: {  	[smem:s4], [sflag:s15] =	dma.local [hbm:s2], $0x1  }
0x93: {  	_ =	swait.eq [sflag:s15], $0x1  }
0x94: {  	[sflag:s15] =	ssyncset.done $0x0  }
0x95: {  	[sflag:s15] =	ssyncadd.s32 $0xFFFFFFFF  }
0x96: {  	s16 =	sld [smem:$0x13];
	(tm) =	ssettm $0x1  }
0x97: {  	s17 =	sld [smem:$0x3FFB];
	_ =	sdelay $0x3  }
0x98: {  	_ =	strace s17  }
0x99: {  	s3 =	sld [smem:$0x3FFC];
	_ =	sdelay $0x3  }
0x9a: {  	_ =	strace s3  }
0x9b: {  	s3 =	sld [smem:$0x3FFD];
	_ =	sdelay $0x3  }
0x9c: {  	_ =	strace s3  }
0x9d: {  	_ =	strace $0x8FFFFFFF  }
0x9e: {  	s18 =	sld [smem:$0x3FDB];
	_ =	sdelay $0x1  }
0x9f: {  	s19 =	simm.s32 $_scs_section_size  }
0xa0: {  	s5 =	simm.s32 $_size__tile_overlayer_lowered;
	s6 =	simm.s32 $_tile_overlayer_lowered  }
0xa1: {  	s22 =	simm.s32 $0x1BFF;
	s21 =	sshll.u32 s6, $0x1;
	s3 =	sadd.s32 s19, s18  }
0xa2: {  	s7 =	simm.s32 $0x0;
	s20 =	sshll.u32 s5, $0x1;
	s5 =	sadd.s32 s21, s3  }
0xa3: {  	[timem:s7], [sflag:s22] =	dma.local [hbm:s5], s20  }
0xa4: {  	_ =	swait.ge [sflag:s22], s20  }
0xa5: {  	s4 =	ssub.s32 $0x0, s20;
	[sflag:s22] =	ssyncset.done $0x0  }
0xa6: {  	[sflag:s22] =	ssyncadd.s32 s4;
	_ =	sdelay $0x1  }
0xa7: {  	s23 =	simm.s32 $0x1B8B  }
0xa8: {  	_ =	swait.ge [sflag:s23], $0x1  }
0xa9: {  	[sflag:s23] =	ssyncset.done $0x0  }
0xaa: {  	s25 =	simm.s32 $0x1B8E;
	s24 =	sld [smem:$0x3FFE];
	[sflag:s23] =	ssyncadd.s32 $0xFFFFFFFF  }
0xab: {  	s26 =	simm.s32 $execute0_lowered;
	[smem:$0x3FD2] =	sst s25  }
0xac: {  	s5 =	sshll.u32 s26, $0x1;
	_ =	strace $0x80000046;
	[dreg:$0x1] =	wrdreg $0xFFFFFFFF  }
0xad: {  	s28 =	simm.s32 $_size_execute0_lowered;
	s3 =	sadd.s32 s3, s5;
	[dreg:$0x0] =	wrdreg $0x0  }
0xae: {  	s5 =	sshll.u32 s28, $0x1;
	[dreg:$0x2] =	wrdreg s3  }
0xaf: {  	[dreg:$0x3] =	wrdreg s5  }
0xb0: {  	[dreg:$0x4] =	wrdreg $0xC0  }
0xb1: {  	_ =	task [dreg:s7], $0x5FFFF  }
0xb2: {  	[dreg:$0x1] =	wrdreg $0xFFFFFFFF  }
0xb3: {  	[dreg:$0x0] =	wrdreg $0x60  }
0xb4: {  	[dreg:$0x2] =	wrdreg s16  }
0xb5: {  	[dreg:$0x3] =	wrdreg s24  }
0xb6: {  	[dreg:$0x4] =	wrdreg $0x9  }
0xb7: {  	_ =	task.clear_ibuf [dreg:s7], $0x5FFFF;
	_ =	strace $0x90000046  }
0xb8: {  	s29 =	simm.s32 $0x9;
	_ =	strace $0x80000048  }
0xb9: {  	_ =	swait.ge [sflag:s29], $0x1  }
0xba: {  	[sflag:s29] =	ssyncadd.s32 $0xFFFFFFFF  }
0xbb: {  	_ =	strace $0x90000048  }
0xbc: {  	_ =	sfence  }
0xbd: {  	s30 =	sld [smem:$0x0];
	_ =	sdelay $0x2  }
0xbe: {  	s31 =	sshll.u32 s1, $0xD;
	s1 =	sshrl.u32 s1, $0x2  }
0xbf: {  	s3 =	sand.u32 $0x4000, s31;
	s1 =	sadd.s32 s1, s30  }
0xc0: {  	s0 =	sor.u32 s3, s0;
	s1 =	sshll.u32 s1, $0x11  }
0xc1: {  	s0 =	sor.u32 s1, s0  }
0xc2: {  	s0 =	sadd.s32 $0x8F2B, s0  }
0xc3: {  	[sflag:s0] =	ssyncadd.remote.s32 $0x1  }
0xc4: {  	_ =	sfence.sel $0xFFFF  }
0xc5: {  	[dreg:$0x0] =	wrdreg $0xFFFFFFFF;
	(pc) =	sbr.abs _section_cstart, $3  }
0xc6: {  	[dreg:$0x1] =	wrdreg $0xFFFFFFFF  }
0xc7: {  	_ =	task.clear_ibuf [dreg:s7], $0x2FFFF;
	_ =	strace $0x9FFFFFFF  }
0xc8: {  	(tm) =	ssettm $0x7FFFFFFF  }
0xc9: {  	_ =	shalt  }
tec
execute0_lowered:
.L_overlay_start_1:
0x0: {  	(tag) =	ssettag $0x1  }
0x1: {  	s3 =	rddreg [dreg:$0x0]  }
0x2: {  	s4 =	rddreg [dreg:$0x1]  }
0x3: {  	s0 =	rddreg [dreg:$0x2]  }
0x4: {  	s1 =	stileid.u32;
	s5 =	srdreg.scid  }
0x5: {  	s2 =	simm.s32 $0x0;
	s9 =	simm.s32 $0x400;
	s10 =	simm.s32 $0x0  }
0x6: {  	s5 =	sand.u32 $0x1, s5;
	s6 =	sshll.u32 s1, $0x1;
	[smem:$0x7FF] =	sst s2  }
0x7: {  	s7 =	sshll.u32 s1, $0x8;
	s6 =	sor.u32 s5, s6;
	_ =	strace $0x80000047  }
0x8: {  	s7 =	sand.u32 $0xC00, s7;
	s5 =	ssub.s32 $0x2, s5;
	s8 =	sshll.u32 s6, $0x4  }
0x9: {  	s4 =	sadd.s32 s7, s4;
	s31 =	sshrl.u32 s5, $0x1;
	s6 =	sshll.u32 s6, $0x6  }
0xa: {  	s7 =	simm.s32 $0x200;
	s30 =	sand.u32 $0x70, s8;
	s5 =	ssub.s32 s5, s31  }
0xb: {  	s3 =	sadd.s32 s3, s6;
	s6 =	simm.s32 $0x1;
	s4 =	sadd.s32 s30, s4  }
0xc: {  	v0 =	vimm.f32 $0.0e+00;
	v1 =	vimm.f32 $1.000000000e+00;
	s8 =	simm.s32 $0x80;
	s5 =	smax.u32 s5, $0x1;
	s4 =	sadd.s32 $0xA00, s4  }
.LBB2_1:
0xd: {  	[tilespmem:s2], [sflag:$0x1] =	stream.linear.gather [hbm4b:s3+s2], $0x200, $0x38;
	[tilespmem:$0x600] =	vst v63  }
0xe: {  	_ =	swait.ge [sflag:s6], $0x200  }
0xf: {  	[sflag:s6] =	ssyncset.done $0x0  }
0x10: {  	s11 =	simm.s32 $0x40;
	s12 =	simm.s32 $0x0;
	[sflag:s6] =	ssyncadd.s32 $0xFFFFFE00  }
.LBB2_2:
0x11: {  	p0 =	sne.s32 s11, $0xFC0;
	[tilespmem:s12+$0x200] =	vst v0;
	s12 =	smov.u32 s11;
	s11 =	sadd.s32 $0x40, s11  }
.Ltmp0:
0x12: {  	(pc) =	sbr.rel @p0 .LBB2_2-.Ltmp0, $2  }
0x13: {  	_ =	sdelay $0x2  }
0x14: {  	s12 =	sshra.s32 s12, $0x2  }
0x15: {  	[tilespmem:s12+$0x200] =	vst v0  }
0x16: {  	v2 =	vld [tilespmem:$0x0];
	_ =	sdelay $0x7  }
0x17: {  	[tilespmem:v2+s7+$0x0] =	vst.idx.add.f32.msk $0xffff, v1  }
0x18: {  	v2 =	vld [tilespmem:$0x10];
	_ =	sdelay $0x7  }
0x19: {  	[tilespmem:v2+s7+$0x0] =	vst.idx.add.f32.msk $0xffff, v1  }
0x1a: {  	v2 =	vld [tilespmem:$0x20];
	_ =	sdelay $0x7  }
0x1b: {  	[tilespmem:v2+s7+$0x0] =	vst.idx.add.f32.msk $0xffff, v1  }
0x1c: {  	v2 =	vld [tilespmem:$0x30];
	_ =	sdelay $0x7  }
0x1d: {  	[tilespmem:v2+s7+$0x0] =	vst.idx.add.f32.msk $0xffff, v1  }
0x1e: {  	v2 =	vld [tilespmem:$0x40];
	_ =	sdelay $0x7  }
0x1f: {  	[tilespmem:v2+s7+$0x0] =	vst.idx.add.f32.msk $0xffff, v1  }
0x20: {  	v2 =	vld [tilespmem:$0x50];
	_ =	sdelay $0x7  }
0x21: {  	[tilespmem:v2+s7+$0x0] =	vst.idx.add.f32.msk $0xffff, v1  }
0x22: {  	v2 =	vld [tilespmem:$0x60];
	_ =	sdelay $0x7  }
0x23: {  	[tilespmem:v2+s7+$0x0] =	vst.idx.add.f32.msk $0xffff, v1  }
0x24: {  	v2 =	vld [tilespmem:$0x70];
	_ =	sdelay $0x7  }
0x25: {  	[tilespmem:v2+s7+$0x0] =	vst.idx.add.f32.msk $0xffff, v1  }
0x26: {  	v2 =	vld [tilespmem:$0x80];
	_ =	sdelay $0x7  }
0x27: {  	[tilespmem:v2+s7+$0x0] =	vst.idx.add.f32.msk $0xffff, v1  }
0x28: {  	v2 =	vld [tilespmem:$0x90];
	_ =	sdelay $0x7  }
0x29: {  	[tilespmem:v2+s7+$0x0] =	vst.idx.add.f32.msk $0xffff, v1  }
0x2a: {  	v2 =	vld [tilespmem:$0xA0];
	_ =	sdelay $0x7  }
0x2b: {  	[tilespmem:v2+s7+$0x0] =	vst.idx.add.f32.msk $0xffff, v1  }
0x2c: {  	v2 =	vld [tilespmem:$0xB0];
	_ =	sdelay $0x7  }
0x2d: {  	[tilespmem:v2+s7+$0x0] =	vst.idx.add.f32.msk $0xffff, v1  }
0x2e: {  	v2 =	vld [tilespmem:$0xC0];
	_ =	sdelay $0x7  }
0x2f: {  	[tilespmem:v2+s7+$0x0] =	vst.idx.add.f32.msk $0xffff, v1  }
0x30: {  	v2 =	vld [tilespmem:$0xD0];
	_ =	sdelay $0x7  }
0x31: {  	[tilespmem:v2+s7+$0x0] =	vst.idx.add.f32.msk $0xffff, v1  }
0x32: {  	v2 =	vld [tilespmem:$0xE0];
	_ =	sdelay $0x7  }
0x33: {  	[tilespmem:v2+s7+$0x0] =	vst.idx.add.f32.msk $0xffff, v1  }
0x34: {  	v2 =	vld [tilespmem:$0xF0];
	_ =	sdelay $0x7  }
0x35: {  	[tilespmem:v2+s7+$0x0] =	vst.idx.add.f32.msk $0xffff, v1  }
0x36: {  	v2 =	vld [tilespmem:$0x100];
	_ =	sdelay $0x7  }
0x37: {  	[tilespmem:v2+s7+$0x0] =	vst.idx.add.f32.msk $0xffff, v1  }
0x38: {  	v2 =	vld [tilespmem:$0x110];
	_ =	sdelay $0x7  }
0x39: {  	[tilespmem:v2+s7+$0x0] =	vst.idx.add.f32.msk $0xffff, v1  }
0x3a: {  	v2 =	vld [tilespmem:$0x120];
	_ =	sdelay $0x7  }
0x3b: {  	[tilespmem:v2+s7+$0x0] =	vst.idx.add.f32.msk $0xffff, v1  }
0x3c: {  	v2 =	vld [tilespmem:$0x130];
	_ =	sdelay $0x7  }
0x3d: {  	[tilespmem:v2+s7+$0x0] =	vst.idx.add.f32.msk $0xffff, v1  }
0x3e: {  	v2 =	vld [tilespmem:$0x140];
	_ =	sdelay $0x7  }
0x3f: {  	[tilespmem:v2+s7+$0x0] =	vst.idx.add.f32.msk $0xffff, v1  }
0x40: {  	v2 =	vld [tilespmem:$0x150];
	_ =	sdelay $0x7  }
0x41: {  	[tilespmem:v2+s7+$0x0] =	vst.idx.add.f32.msk $0xffff, v1  }
0x42: {  	v2 =	vld [tilespmem:$0x160];
	_ =	sdelay $0x7  }
0x43: {  	[tilespmem:v2+s7+$0x0] =	vst.idx.add.f32.msk $0xffff, v1  }
0x44: {  	v2 =	vld [tilespmem:$0x170];
	_ =	sdelay $0x7  }
0x45: {  	[tilespmem:v2+s7+$0x0] =	vst.idx.add.f32.msk $0xffff, v1  }
0x46: {  	v2 =	vld [tilespmem:$0x180];
	_ =	sdelay $0x7  }
0x47: {  	[tilespmem:v2+s7+$0x0] =	vst.idx.add.f32.msk $0xffff, v1  }
0x48: {  	v2 =	vld [tilespmem:$0x190];
	_ =	sdelay $0x7  }
0x49: {  	[tilespmem:v2+s7+$0x0] =	vst.idx.add.f32.msk $0xffff, v1  }
0x4a: {  	v2 =	vld [tilespmem:$0x1A0];
	_ =	sdelay $0x7  }
0x4b: {  	[tilespmem:v2+s7+$0x0] =	vst.idx.add.f32.msk $0xffff, v1  }
0x4c: {  	v2 =	vld [tilespmem:$0x1B0];
	_ =	sdelay $0x7  }
0x4d: {  	[tilespmem:v2+s7+$0x0] =	vst.idx.add.f32.msk $0xffff, v1  }
0x4e: {  	v2 =	vld [tilespmem:$0x1C0];
	_ =	sdelay $0x7  }
0x4f: {  	[tilespmem:v2+s7+$0x0] =	vst.idx.add.f32.msk $0xffff, v1  }
0x50: {  	v2 =	vld [tilespmem:$0x1D0];
	_ =	sdelay $0x7  }
0x51: {  	[tilespmem:v2+s7+$0x0] =	vst.idx.add.f32.msk $0xffff, v1  }
0x52: {  	v2 =	vld [tilespmem:$0x1E0];
	_ =	sdelay $0x7  }
0x53: {  	[tilespmem:v2+s7+$0x0] =	vst.idx.add.f32.msk $0xffff, v1  }
0x54: {  	v2 =	vld [tilespmem:$0x1F0];
	_ =	sdelay $0x5  }
0x55: {  	s10 =	sadd.s32 $0x1, s10  }
0x56: {  	p0 =	sne.s32 s10, s5  }
.Ltmp1:
0x57: {  	[tilespmem:v2+s7+$0x0] =	vst.idx.add.f32.msk $0xffff, v1;
	(pc) =	sbr.rel @p0 .LBB2_1-.Ltmp1, $4  }
0x58: {  	[hbm4b:s4+s8] =	stream.strided.scatter [tilespmem:s7], [sflag:$0x1], $0x400, s9, s8, $0x38;
	[tilespmem:$0x600] =	vst v63  }
0x59: {  	_ =	swait.ge [sflag:s6], $0x400  }
0x5a: {  	[sflag:s6] =	ssyncset.done $0x0  }
0x5b: {  	[sflag:s6] =	ssyncadd.s32 $0xFFFFFC00  }
0x5c: {  	_ =	sfence.sel $0x180000  }
0x5d: {  	[bflag:$0x0] =	sbarrier.arrive $0xFFFF  }
0x5e: {  	p0 =	sne.s32 s1, $0x0;
	_ =	strace $0x90000047  }
0x5f: {  	s0 =	sadd.s32 @!p0 $0x100000, s0;
	[bflag:$0x2] =	sbarrier.arrive $0xFFFF  }
0x60: {  	[sflag:s0] =	ssyncadd.tile.s32 @!p0 $0x1;
	_ =	shalt  }
.Lfunc_end2:
_tile_overlayer_lowered:
.L_overlay_start_2:
0x61: {  	(tag) =	ssettag $0x2  }
0x62: {  	s0 =	rddreg [dreg:$0x0];
	s2 =	stileid.u32  }
0x63: {  	s1 =	rddreg [dreg:$0x1];
	p0 =	sne.s32 s2, $0x0  }
0x64: {  	s3 =	rddreg [dreg:$0x2];
	[bflag:$0x3] =	sbarrier.arrive $0xFFFF;
	s2 =	simm.s32 @!p0 $0x1C01  }
0x65: {  	[timem:s3], [sflag:s2] =	dma.local @!p0 [hbm:s0], s1  }
0x66: {  	s0 =	simm.s32 @!p0 $0x1  }
0x67: {  	_ =	swait.ge @!p0 [sflag:s0], s1  }
0x68: {  	s1 =	ssub.s32 @!p0 $0x0, s1;
	[sflag:s0] =	ssyncset.done @!p0 $0x0  }
0x69: {  	[sflag:s0] =	ssyncadd.s32 @!p0 s1  }
0x6a: {  	[bflag:$0x3] =	sbarrier.arrive $0xFFFF  }
0x6b: {  	_ =	shalt  }

</sc_bundles>
